<compile_context>
chip_gen: v7x
topology: tpu7x:2x2x1
jax: 0.10.2.dev20260603
libtpu: 0.0.44.dev20260713+nightly
codegen_flags: <defaults>
</compile_context>

<pallas_src>
import functools

import jax
import jax.numpy as jnp
from jax import lax
from jax.experimental import pallas as pl
from jax.experimental.pallas import tpu as pltpu
from jax.experimental.pallas import tpu_sc as plsc

PE_SIZE = 2048
N_POS = 16384

_NC = 2
_NS = 16
_NW = _NC * _NS
_ROWS_W = N_POS // _NW
_BR = 16
_NBLK = _ROWS_W // _BR


def _body(pos_hbm, zeros_hbm, out_hbm, idx_v, zb0, zb1, zsh, sem0, sem1):
    s = lax.axis_index("s")
    wid = s * _NC + lax.axis_index("c")
    base_row = wid * _ROWS_W

    pltpu.sync_copy(pos_hbm.at[pl.ds(base_row, _ROWS_W)], idx_v)

    @pl.when(s == 0)
    def _():
        pltpu.sync_copy(zeros_hbm, zsh)

    plsc.subcore_barrier()
    pltpu.sync_copy(zsh, zb0)

    bufs = (zb0, zb1)
    sems = (sem0, sem1)
    iota16 = lax.broadcasted_iota(jnp.int32, (16,), 0)
    ones16 = jnp.full((16,), 1, jnp.int32)
    zeros16 = jnp.zeros((16,), jnp.int32)

    def _block(it, b, dprev):
        if dprev is not None:
            pltpu.make_async_copy(
                bufs[b], out_hbm.at[pl.ds(0, _BR), :], sems[b]).wait()
            plsc.store_scatter(bufs[b], [iota16, dprev], zeros16)
        idx16 = idx_v[pl.ds(it * _BR, 16)]
        col16 = jnp.minimum(idx16, PE_SIZE - 1)
        plsc.store_scatter(bufs[b], [iota16, col16], ones16)
        pltpu.async_copy(
            bufs[b], out_hbm.at[pl.ds(base_row + it * _BR, _BR), :], sems[b])
        return col16

    d0 = _block(0, 0, None)
    pltpu.sync_copy(zsh, zb1)
    d1 = _block(1, 1, None)

    def _pair(p, dirty):
        d0 = _block(p * 2, 0, dirty[0])
        d1 = _block(p * 2 + 1, 1, dirty[1])
        return (d0, d1)

    lax.fori_loop(1, _NBLK // 2, _pair, (d0, d1))

    pltpu.make_async_copy(zb0, out_hbm.at[pl.ds(0, _BR), :], sem0).wait()
    pltpu.make_async_copy(zb1, out_hbm.at[pl.ds(0, _BR), :], sem1).wait()


@functools.partial(
    pl.kernel,
    out_type=jax.ShapeDtypeStruct((N_POS, PE_SIZE), jnp.int32),
    mesh=plsc.VectorSubcoreMesh(core_axis_name="c", subcore_axis_name="s"),
    compiler_params=pltpu.CompilerParams(
        needs_layout_passes=False,
        disable_bounds_checks=True,
        disable_semaphore_checks=True,
    ),
    scratch_types=[
        pltpu.VMEM((_ROWS_W,), jnp.int32),
        pltpu.VMEM((_BR, PE_SIZE), jnp.int32),
        pltpu.VMEM((_BR, PE_SIZE), jnp.int32),
        pltpu.VMEM_SHARED((_BR, PE_SIZE), jnp.int32),
        pltpu.SemaphoreType.DMA,
        pltpu.SemaphoreType.DMA,
    ],
)
def _onehot_sc(pos_hbm, zeros_hbm, out_hbm, idx_v, zb0, zb1, zsh, sem0, sem1):
    _body(pos_hbm, zeros_hbm, out_hbm, idx_v, zb0, zb1, zsh, sem0, sem1)


def kernel(position):
    pos_flat = position.reshape(N_POS)
    zeros = jnp.zeros((_BR, PE_SIZE), jnp.int32)
    return _onehot_sc(pos_flat, zeros)

# --- scband reference (transcript-rebuilt; emitter-appended) ---
"""Pipeline reference for scband-one-hot-pe-2662879724350 (READ-ONLY COPY).

The authoritative reference and input builder live on the scoring server;
editing this copy changes nothing except your own understanding.
"""

import jax, jax.numpy as jnp
import numpy as np

PE_SIZE = 2048


def setup_inputs(seed: int = 0) -> dict:
    key = jax.random.key(seed)
    # position: int indices in [0, 4096) so clamp(max=pe_size-1) is exercised
    position = jax.random.randint(key, (16384, 1), 0, 4096, dtype=jnp.int32)
    return {"position": position}


def reference(position):
    # Faithful translation of OneHotPE.forward (pe_size > 0 branch):
    #   F.one_hot(position.clamp(max=pe_size-1).long().squeeze(-1), num_classes=pe_size)
    idx = jnp.minimum(position, PE_SIZE - 1).astype(jnp.int32)
    idx = jnp.squeeze(idx, axis=-1)
    out = jax.nn.one_hot(idx, PE_SIZE, dtype=jnp.int32)
    return out

if __name__ == "__main__":
    import jax
    _d = setup_inputs()
    print(jax.jit(kernel)(*tuple(_d.values())))

</pallas_src>

<mosaic_0001>
#map = affine_map<(d0, d1) -> (0)>
#map1 = affine_map<(d0, d1) -> (0, 0)>
module attributes {stable_mosaic.version = 14 : i64} {
  func.func @_onehot_sc(%arg0: i32, %arg1: i32, %arg2: memref<16384xi32, #tpu.memory_space<hbm>>, %arg3: memref<16x2048xi32, #tpu.memory_space<hbm>>, %arg4: memref<16384x2048xi32, #tpu.memory_space<hbm>>, %arg5: memref<512xi32, #tpu.memory_space<vmem>>, %arg6: memref<16x2048xi32, #tpu.memory_space<vmem>>, %arg7: memref<16x2048xi32, #tpu.memory_space<vmem>>, %arg8: memref<16x2048xi32, #tpu.memory_space<vmem_shared>>, %arg9: memref<!tpu.dma_semaphore, #tpu.memory_space<semaphore_mem>>, %arg10: memref<!tpu.dma_semaphore, #tpu.memory_space<semaphore_mem>>) attributes {dimension_semantics = [#tpu.dimension_semantics<core_parallel>, #tpu.dimension_semantics<subcore_parallel>], iteration_bounds = array<i64: 2, 16>, scalar_prefetch = 0 : i64, scratch_operands = 6 : i64, tpu.core_type = #tpu.core_type<sc_vector_subcore>, window_params = [{transform_indices = #map}, {transform_indices = #map1}, {transform_indices = #map1}]} {
    %mul3A = arith.constant 2 : i32
    %mul3A_0 = arith.muli %arg1, %mul3A : i32
    %add3A = arith.addi %mul3A_0, %arg0 : i32
    %mul3A_1 = arith.constant 512 : i32
    %mul3A_2 = arith.muli %add3A, %mul3A_1 : i32
    "tpu.region"() ({
      %run_scoped3A = tpu.sem_alloc : memref<!tpu.dma_semaphore, #tpu.memory_space<semaphore_mem>>
      %dma_start3A_43 = tpu.memref_slice %arg2[%mul3A_2] : memref<16384xi32, #tpu.memory_space<hbm>> -> memref<512xi32, #tpu.memory_space<hbm>>
      %dma_start3A_44 = tpu.memref_slice %arg2[%mul3A_2] : memref<16384xi32, #tpu.memory_space<hbm>> -> memref<512xi32, #tpu.memory_space<hbm>>
      tpu.enqueue_dma source(%dma_start3A_44 : memref<512xi32, #tpu.memory_space<hbm>>) target(%arg5 : memref<512xi32, #tpu.memory_space<vmem>>) target_semaphore(%run_scoped3A : memref<!tpu.dma_semaphore, #tpu.memory_space<semaphore_mem>>)
      %dma_wait3A_45 = tpu.memref_slice %arg2[%mul3A_2] : memref<16384xi32, #tpu.memory_space<hbm>> -> memref<512xi32, #tpu.memory_space<hbm>>
      %dma_wait3A_46 = tpu.memref_slice %arg2[%mul3A_2] : memref<16384xi32, #tpu.memory_space<hbm>> -> memref<512xi32, #tpu.memory_space<hbm>>
      tpu.wait_dma2 semaphore(%run_scoped3A : memref<!tpu.dma_semaphore, #tpu.memory_space<semaphore_mem>>) src(%dma_wait3A_46 : memref<512xi32, #tpu.memory_space<hbm>>) dst(%arg5 : memref<512xi32, #tpu.memory_space<vmem>>)
      tpu.yield
    }) : () -> ()
    %eq3A = arith.constant 0 : i32
    %eq3A_3 = arith.cmpi eq, %arg1, %eq3A : i32
    %convert_element_type3A = arith.extui %eq3A_3 : i1 to i32
    %cond3A = arith.constant 0 : i32
    %cond3A_4 = arith.cmpi ne, %convert_element_type3A, %cond3A : i32
    scf.if %cond3A_4 {
      "tpu.region"() ({
        %run_scoped3A = tpu.sem_alloc : memref<!tpu.dma_semaphore, #tpu.memory_space<semaphore_mem>>
        tpu.enqueue_dma source(%arg3 : memref<16x2048xi32, #tpu.memory_space<hbm>>) target(%arg8 : memref<16x2048xi32, #tpu.memory_space<vmem_shared>>) target_semaphore(%run_scoped3A : memref<!tpu.dma_semaphore, #tpu.memory_space<semaphore_mem>>)
        tpu.wait_dma2 semaphore(%run_scoped3A : memref<!tpu.dma_semaphore, #tpu.memory_space<semaphore_mem>>) src(%arg3 : memref<16x2048xi32, #tpu.memory_space<hbm>>) dst(%arg8 : memref<16x2048xi32, #tpu.memory_space<vmem_shared>>)
        tpu.yield
      }) : () -> ()
    } else {
    }
    %barrier3A = arith.constant 0 : index
    tpu.barrier barrier_id(%barrier3A)
    "tpu.region"() ({
      %run_scoped3A = tpu.sem_alloc : memref<!tpu.dma_semaphore, #tpu.memory_space<semaphore_mem>>
      tpu.enqueue_dma source(%arg8 : memref<16x2048xi32, #tpu.memory_space<vmem_shared>>) target(%arg6 : memref<16x2048xi32, #tpu.memory_space<vmem>>) target_semaphore(%run_scoped3A : memref<!tpu.dma_semaphore, #tpu.memory_space<semaphore_mem>>)
      tpu.wait_dma2 semaphore(%run_scoped3A : memref<!tpu.dma_semaphore, #tpu.memory_space<semaphore_mem>>) src(%arg8 : memref<16x2048xi32, #tpu.memory_space<vmem_shared>>) dst(%arg6 : memref<16x2048xi32, #tpu.memory_space<vmem>>)
      tpu.yield
    }) : () -> ()
    %iota3A = tpu.iota {dimensions = array<i32: 0>} : vector<16xi32>
    %broadcast_in_dim3A = arith.constant 1 : i32
    %broadcast_in_dim3A_5 = vector.broadcast %broadcast_in_dim3A : i32 to vector<16xi32>
    %broadcast_in_dim3A_6 = arith.constant 0 : i32
    %broadcast_in_dim3A_7 = vector.broadcast %broadcast_in_dim3A_6 : i32 to vector<16xi32>
    %get3A = arith.constant 0 : index
    %get3A_8 = tpu.vector_load %arg5[%get3A] {strides = array<i32>} : memref<512xi32, #tpu.memory_space<vmem>>, vector<16xi32>,
    %min3A = arith.constant 2047 : i32
    %min3A_9 = vector.broadcast %min3A : i32 to vector<16xi32>
    %min3A_10 = arith.minsi %get3A_8, %min3A_9 : vector<16xi32>
    tpu.vector_store_idx %arg6[%iota3A, %min3A_10], %broadcast_in_dim3A_5 : memref<16x2048xi32, #tpu.memory_space<vmem>>[vector<16xi32>, vector<16xi32>], vector<16xi32>,
    %add3A_11 = arith.constant 0 : i32
    %add3A_12 = arith.addi %mul3A_2, %add3A_11 : i32
    %dma_start3A = arith.constant 0 : i32
    %dma_start3A_13 = tpu.memref_slice %arg4[%add3A_12, %dma_start3A] : memref<16384x2048xi32, #tpu.memory_space<hbm>> -> memref<16x2048xi32, #tpu.memory_space<hbm>>
    %dma_start3A_14 = arith.constant 0 : i32
    %dma_start3A_15 = tpu.memref_slice %arg4[%add3A_12, %dma_start3A_14] : memref<16384x2048xi32, #tpu.memory_space<hbm>> -> memref<16x2048xi32, #tpu.memory_space<hbm>>
    tpu.enqueue_dma source(%arg6 : memref<16x2048xi32, #tpu.memory_space<vmem>>) target(%dma_start3A_15 : memref<16x2048xi32, #tpu.memory_space<hbm>>) target_semaphore(%arg9 : memref<!tpu.dma_semaphore, #tpu.memory_space<semaphore_mem>>)
    "tpu.region"() ({
      %run_scoped3A = tpu.sem_alloc : memref<!tpu.dma_semaphore, #tpu.memory_space<semaphore_mem>>
      tpu.enqueue_dma source(%arg8 : memref<16x2048xi32, #tpu.memory_space<vmem_shared>>) target(%arg7 : memref<16x2048xi32, #tpu.memory_space<vmem>>) target_semaphore(%run_scoped3A : memref<!tpu.dma_semaphore, #tpu.memory_space<semaphore_mem>>)
      tpu.wait_dma2 semaphore(%run_scoped3A : memref<!tpu.dma_semaphore, #tpu.memory_space<semaphore_mem>>) src(%arg8 : memref<16x2048xi32, #tpu.memory_space<vmem_shared>>) dst(%arg7 : memref<16x2048xi32, #tpu.memory_space<vmem>>)
      tpu.yield
    }) : () -> ()
    %get3A_16 = arith.constant 16 : index
    %get3A_17 = tpu.vector_load %arg5[%get3A_16] {strides = array<i32>} : memref<512xi32, #tpu.memory_space<vmem>>, vector<16xi32>,
    %min3A_18 = arith.constant 2047 : i32
    %min3A_19 = vector.broadcast %min3A_18 : i32 to vector<16xi32>
    %min3A_20 = arith.minsi %get3A_17, %min3A_19 : vector<16xi32>
    tpu.vector_store_idx %arg7[%iota3A, %min3A_20], %broadcast_in_dim3A_5 : memref<16x2048xi32, #tpu.memory_space<vmem>>[vector<16xi32>, vector<16xi32>], vector<16xi32>,
    %add3A_21 = arith.constant 16 : i32
    %add3A_22 = arith.addi %mul3A_2, %add3A_21 : i32
    %dma_start3A_23 = arith.constant 0 : i32
    %dma_start3A_24 = tpu.memref_slice %arg4[%add3A_22, %dma_start3A_23] : memref<16384x2048xi32, #tpu.memory_space<hbm>> -> memref<16x2048xi32, #tpu.memory_space<hbm>>
    %dma_start3A_25 = arith.constant 0 : i32
    %dma_start3A_26 = tpu.memref_slice %arg4[%add3A_22, %dma_start3A_25] : memref<16384x2048xi32, #tpu.memory_space<hbm>> -> memref<16x2048xi32, #tpu.memory_space<hbm>>
    tpu.enqueue_dma source(%arg7 : memref<16x2048xi32, #tpu.memory_space<vmem>>) target(%dma_start3A_26 : memref<16x2048xi32, #tpu.memory_space<hbm>>) target_semaphore(%arg10 : memref<!tpu.dma_semaphore, #tpu.memory_space<semaphore_mem>>)
    %scan3A = arith.constant 1 : i32
    %scan3A_27 = arith.constant 15 : i32
    %scan3A_28 = arith.addi %scan3A, %scan3A_27 : i32
    %scan3A_29 = arith.constant 1 : i32
    %scan3A_30:2 = scf.for %scan3A_43 = %scan3A to %scan3A_28 step %scan3A_29 iter_args(%scan3A_44 = %min3A_10, %scan3A_45 = %min3A_20) -> (vector<16xi32>, vector<16xi32>)  : i32 {
      %mul3A_46 = arith.constant 2 : i32
      %mul3A_47 = arith.muli %scan3A_43, %mul3A_46 : i32
      %dma_wait3A_48 = arith.constant 0 : i32
      %dma_wait3A_49 = arith.constant 0 : i32
      %dma_wait3A_50 = tpu.memref_slice %arg4[%dma_wait3A_48, %dma_wait3A_49] : memref<16384x2048xi32, #tpu.memory_space<hbm>> -> memref<16x2048xi32, #tpu.memory_space<hbm>>
      %dma_wait3A_51 = arith.constant 0 : i32
      %dma_wait3A_52 = arith.constant 0 : i32
      %dma_wait3A_53 = tpu.memref_slice %arg4[%dma_wait3A_51, %dma_wait3A_52] : memref<16384x2048xi32, #tpu.memory_space<hbm>> -> memref<16x2048xi32, #tpu.memory_space<hbm>>
      tpu.wait_dma2 semaphore(%arg9 : memref<!tpu.dma_semaphore, #tpu.memory_space<semaphore_mem>>) src(%arg6 : memref<16x2048xi32, #tpu.memory_space<vmem>>) dst(%dma_wait3A_53 : memref<16x2048xi32, #tpu.memory_space<hbm>>)
      tpu.vector_store_idx %arg6[%iota3A, %scan3A_44], %broadcast_in_dim3A_7 : memref<16x2048xi32, #tpu.memory_space<vmem>>[vector<16xi32>, vector<16xi32>], vector<16xi32>,
      %mul3A_54 = arith.constant 16 : i32
      %mul3A_55 = arith.muli %mul3A_47, %mul3A_54 : i32
      %get3A_56 = arith.index_cast %mul3A_55 : i32 to index
      %get3A_57 = tpu.vector_load %arg5[%get3A_56] {strides = array<i32>} : memref<512xi32, #tpu.memory_space<vmem>>, vector<16xi32>,
      %min3A_58 = arith.constant 2047 : i32
      %min3A_59 = vector.broadcast %min3A_58 : i32 to vector<16xi32>
      %min3A_60 = arith.minsi %get3A_57, %min3A_59 : vector<16xi32>
      tpu.vector_store_idx %arg6[%iota3A, %min3A_60], %broadcast_in_dim3A_5 : memref<16x2048xi32, #tpu.memory_space<vmem>>[vector<16xi32>, vector<16xi32>], vector<16xi32>,
      %mul3A_61 = arith.constant 16 : i32
      %mul3A_62 = arith.muli %mul3A_47, %mul3A_61 : i32
      %add3A_63 = arith.addi %mul3A_2, %mul3A_62 : i32
      %dma_start3A_64 = arith.constant 0 : i32
      %dma_start3A_65 = tpu.memref_slice %arg4[%add3A_63, %dma_start3A_64] : memref<16384x2048xi32, #tpu.memory_space<hbm>> -> memref<16x2048xi32, #tpu.memory_space<hbm>>
      %dma_start3A_66 = arith.constant 0 : i32
      %dma_start3A_67 = tpu.memref_slice %arg4[%add3A_63, %dma_start3A_66] : memref<16384x2048xi32, #tpu.memory_space<hbm>> -> memref<16x2048xi32, #tpu.memory_space<hbm>>
      tpu.enqueue_dma source(%arg6 : memref<16x2048xi32, #tpu.memory_space<vmem>>) target(%dma_start3A_67 : memref<16x2048xi32, #tpu.memory_space<hbm>>) target_semaphore(%arg9 : memref<!tpu.dma_semaphore, #tpu.memory_space<semaphore_mem>>)
      %mul3A_68 = arith.constant 2 : i32
      %mul3A_69 = arith.muli %scan3A_43, %mul3A_68 : i32
      %add3A_70 = arith.constant 1 : i32
      %add3A_71 = arith.addi %mul3A_69, %add3A_70 : i32
      %dma_wait3A_72 = arith.constant 0 : i32
      %dma_wait3A_73 = arith.constant 0 : i32
      %dma_wait3A_74 = tpu.memref_slice %arg4[%dma_wait3A_72, %dma_wait3A_73] : memref<16384x2048xi32, #tpu.memory_space<hbm>> -> memref<16x2048xi32, #tpu.memory_space<hbm>>
      %dma_wait3A_75 = arith.constant 0 : i32
      %dma_wait3A_76 = arith.constant 0 : i32
      %dma_wait3A_77 = tpu.memref_slice %arg4[%dma_wait3A_75, %dma_wait3A_76] : memref<16384x2048xi32, #tpu.memory_space<hbm>> -> memref<16x2048xi32, #tpu.memory_space<hbm>>
      tpu.wait_dma2 semaphore(%arg10 : memref<!tpu.dma_semaphore, #tpu.memory_space<semaphore_mem>>) src(%arg7 : memref<16x2048xi32, #tpu.memory_space<vmem>>) dst(%dma_wait3A_77 : memref<16x2048xi32, #tpu.memory_space<hbm>>)
      tpu.vector_store_idx %arg7[%iota3A, %scan3A_45], %broadcast_in_dim3A_7 : memref<16x2048xi32, #tpu.memory_space<vmem>>[vector<16xi32>, vector<16xi32>], vector<16xi32>,
      %mul3A_78 = arith.constant 16 : i32
      %mul3A_79 = arith.muli %add3A_71, %mul3A_78 : i32
      %get3A_80 = arith.index_cast %mul3A_79 : i32 to index
      %get3A_81 = tpu.vector_load %arg5[%get3A_80] {strides = array<i32>} : memref<512xi32, #tpu.memory_space<vmem>>, vector<16xi32>,
      %min3A_82 = arith.constant 2047 : i32
      %min3A_83 = vector.broadcast %min3A_82 : i32 to vector<16xi32>
      %min3A_84 = arith.minsi %get3A_81, %min3A_83 : vector<16xi32>
      tpu.vector_store_idx %arg7[%iota3A, %min3A_84], %broadcast_in_dim3A_5 : memref<16x2048xi32, #tpu.memory_space<vmem>>[vector<16xi32>, vector<16xi32>], vector<16xi32>,
      %mul3A_85 = arith.constant 16 : i32
      %mul3A_86 = arith.muli %add3A_71, %mul3A_85 : i32
      %add3A_87 = arith.addi %mul3A_2, %mul3A_86 : i32
      %dma_start3A_88 = arith.constant 0 : i32
      %dma_start3A_89 = tpu.memref_slice %arg4[%add3A_87, %dma_start3A_88] : memref<16384x2048xi32, #tpu.memory_space<hbm>> -> memref<16x2048xi32, #tpu.memory_space<hbm>>
      %dma_start3A_90 = arith.constant 0 : i32
      %dma_start3A_91 = tpu.memref_slice %arg4[%add3A_87, %dma_start3A_90] : memref<16384x2048xi32, #tpu.memory_space<hbm>> -> memref<16x2048xi32, #tpu.memory_space<hbm>>
      tpu.enqueue_dma source(%arg7 : memref<16x2048xi32, #tpu.memory_space<vmem>>) target(%dma_start3A_91 : memref<16x2048xi32, #tpu.memory_space<hbm>>) target_semaphore(%arg10 : memref<!tpu.dma_semaphore, #tpu.memory_space<semaphore_mem>>)
      scf.yield %min3A_60, %min3A_84 : vector<16xi32>, vector<16xi32>
    }
    %scan3A_31 = arith.constant 15 : i32
    %dma_wait3A = arith.constant 0 : i32
    %dma_wait3A_32 = arith.constant 0 : i32
    %dma_wait3A_33 = tpu.memref_slice %arg4[%dma_wait3A, %dma_wait3A_32] : memref<16384x2048xi32, #tpu.memory_space<hbm>> -> memref<16x2048xi32, #tpu.memory_space<hbm>>
    %dma_wait3A_34 = arith.constant 0 : i32
    %dma_wait3A_35 = arith.constant 0 : i32
    %dma_wait3A_36 = tpu.memref_slice %arg4[%dma_wait3A_34, %dma_wait3A_35] : memref<16384x2048xi32, #tpu.memory_space<hbm>> -> memref<16x2048xi32, #tpu.memory_space<hbm>>
    tpu.wait_dma2 semaphore(%arg9 : memref<!tpu.dma_semaphore, #tpu.memory_space<semaphore_mem>>) src(%arg6 : memref<16x2048xi32, #tpu.memory_space<vmem>>) dst(%dma_wait3A_36 : memref<16x2048xi32, #tpu.memory_space<hbm>>)
    %dma_wait3A_37 = arith.constant 0 : i32
    %dma_wait3A_38 = arith.constant 0 : i32
    %dma_wait3A_39 = tpu.memref_slice %arg4[%dma_wait3A_37, %dma_wait3A_38] : memref<16384x2048xi32, #tpu.memory_space<hbm>> -> memref<16x2048xi32, #tpu.memory_space<hbm>>
    %dma_wait3A_40 = arith.constant 0 : i32
    %dma_wait3A_41 = arith.constant 0 : i32
    %dma_wait3A_42 = tpu.memref_slice %arg4[%dma_wait3A_40, %dma_wait3A_41] : memref<16384x2048xi32, #tpu.memory_space<hbm>> -> memref<16x2048xi32, #tpu.memory_space<hbm>>
    tpu.wait_dma2 semaphore(%arg10 : memref<!tpu.dma_semaphore, #tpu.memory_space<semaphore_mem>>) src(%arg7 : memref<16x2048xi32, #tpu.memory_space<vmem>>) dst(%dma_wait3A_42 : memref<16x2048xi32, #tpu.memory_space<hbm>>)
    return
  }
}

</mosaic_0001>

<sc_bundles>
// kernel: kernel.3.cloned.1.call-start
scs
__scs_entry_jumppad:
0x0: {  	(pc) =	sbr.rel $0x88, $3  }
0x1: {  	(tag) =	ssettag $0x0;
	lr =	simm.s32 $0x1  }
0x2: {  	[smem:$0x3FA0] =	sst lr;
	_ =	strace $0xD0000000  }
0x3: {  	_ = 	snop  }
0x4: {  	_ = 	snop  }
0x5: {  	_ = 	snop  }
0x6: {  	_ = 	snop  }
0x7: {  	_ = 	snop  }
__scs_overlays_trampoline_lowered:
0x8: {  	[smem:$0x3FAF] =	sst s0  }
0x9: {  	[smem:$0x3FB0] =	sst s1  }
0xa: {  	[smem:$0x3FB1] =	sst s2  }
0xb: {  	[smem:$0x3FB2] =	sst s3  }
0xc: {  	[smem:$0x3FB3] =	sst s4  }
0xd: {  	[smem:$0x3FB4] =	sst s5  }
0xe: {  	[smem:$0x3FB5] =	sst s6  }
0xf: {  	[smem:$0x3FB6] =	sst s7  }
0x10: {  	[smem:$0x3FB7] =	sst s8  }
0x11: {  	[smem:$0x3FB8] =	sst s9;
	s0 =	simm.s32 @!p0 $0x0  }
0x12: {  	s1 =	sld [smem:$0x3F9E];
	s0 =	simm.s32 @p0 $0x1  }
0x13: {  	[smem:$0x3FB9] =	sst s0;
	s0 =	simm.s32 @!p1 $0x0  }
0x14: {  	s2 =	sld [smem:$0x3F9D];
	s0 =	simm.s32 @p1 $0x1  }
0x15: {  	[smem:$0x3FBA] =	sst s0;
	s0 =	simm.s32 @!p2 $0x0  }
0x16: {  	s3 =	sld [smem:$0x3FDB];
	s0 =	simm.s32 @p2 $0x1  }
0x17: {  	s4 =	simm.s32 $0x1BF5;
	[smem:$0x3FBC] =	sst s0  }
0x18: {  	s0 =	sld [smem:$0x3F9F];
	_ =	swait.ge [sflag:s4], $0x0  }
0x19: {  	s7 =	sld [smem:$0x3FA0]  }
0x1a: {  	s8 =	sadd.s32 $0xFFFFE003, lr  }
0x1b: {  	s9 =	sadd.s32 $0xFFFFFEF7, lr;
	s5 =	simm.s32 $0xFFFFFFFF;
	p2 =	slt.u32 s8, $0xFFFFF086  }
0x1c: {  	p1 =	slt.u32 s9, $0xF7A;
	s5 =	simm.s32 @!p2 $0x0  }
0x1d: {  	s5 =	simm.s32 @p1 $0x1;
	p0 =	seq.s32 s7, s2  }
0x1e: {  	s7 =	smul.u32 @!p0 $0xF7A, s2;
	p2 =	seq.s32 @!p0 s5, $0x0  }
0x1f: {  	s9 =	smul.u32 $0xF7A, s1;
	s8 =	simm.s32 @!p0 $0x1BF5;
	p2 =	por !p2, p0  }
0x20: {  	[sflag:s8] =	ssyncset.s32 @!p0 $0xFFFFF086;
	s6 =	sadd.s32 @!p0 s3, s7;
	s7 =	simm.s32 @!p0 $0x108  }
0x21: {  	s3 =	sadd.s32 s3, s9;
	s6 =	sadd.s32 @!p0 $0x88, s6;
	s7 =	simm.s32 @p2 $0x1082  }
0x22: {  	[simem:s7], [sflag:s8] =	dma.local @!p0 [hbm:s6], $0xF7A  }
0x23: {  	s9 =	sor.u32 $0xD0000000, s2;
	s6 =	simm.s32 $0x108;
	_ =	swait.ge @!p0 [sflag:s8], $0x0  }
0x24: {  	s3 =	sadd.s32 $0x88, s3;
	s6 =	simm.s32 @!p1 $0x1082;
	[sflag:s4] =	ssyncset.s32 $0xFFFFF086  }
0x25: {  	[simem:s6], [sflag:s4] =	dma.local [hbm:s3], $0xF7A  }
0x26: {  	[smem:$0x3FA0] =	sst s1;
	(tag) =	ssettag s2;
	_ =	strace s9  }
0x27: {  	s1 =	sld [smem:$0x3FB0]  }
0x28: {  	s2 =	sld [smem:$0x3FB1]  }
0x29: {  	s4 =	sld [smem:$0x3FB3]  }
0x2a: {  	p0 =	seq.s32 s5, $0x0;
	s5 =	sld [smem:$0x3FB4]  }
0x2b: {  	s6 =	sld [smem:$0x3FB5]  }
0x2c: {  	s7 =	sld [smem:$0x3FB6]  }
0x2d: {  	s3 =	simm.s32 $0x108;
	s8 =	sld [smem:$0x3FB7]  }
0x2e: {  	s3 =	simm.s32 @!p0 $0x1082;
	s9 =	sld [smem:$0x3FB8]  }
0x2f: {  	lr =	sadd.s32 s0, s3;
	s0 =	sld [smem:$0x3FAF]  }
0x30: {  	s3 =	sld [smem:$0x3FB2]  }
0x31: {  	[smem:$0x3FBB] =	sst s10  }
0x32: {  	s10 =	sld [smem:$0x3FB9];
	_ =	sdelay $0x3  }
0x33: {  	p0 =	seq.s32 s10, $0x1;
	s10 =	sld [smem:$0x3FBB];
	_ =	sdelay $0x3  }
0x34: {  	[smem:$0x3FBB] =	sst s10  }
0x35: {  	s10 =	sld [smem:$0x3FBA];
	_ =	sdelay $0x3  }
0x36: {  	p1 =	seq.s32 s10, $0x1;
	s10 =	sld [smem:$0x3FBB];
	_ =	sdelay $0x3  }
0x37: {  	[smem:$0x3FBB] =	sst s10  }
0x38: {  	s10 =	sld [smem:$0x3FBC]  }
0x39: {  	_ = 	snop;
	(pc) =	sbr.ind lr, $3  }
0x3a: {  	_ = 	snop  }
0x3b: {  	_ = 	snop  }
0x3c: {  	p2 =	seq.s32 s10, $0x1;
	s10 =	sld [smem:$0x3FBB]  }
0x3d: {  	_ =	shalt  }
0x3e: {  	_ =	shalt  }
0x3f: {  	_ =	shalt  }
0x40: {  	_ =	shalt  }
0x41: {  	_ =	shalt  }
0x42: {  	_ =	shalt  }
0x43: {  	_ =	shalt  }
0x44: {  	_ =	shalt  }
0x45: {  	_ =	shalt  }
0x46: {  	_ =	shalt  }
0x47: {  	_ =	shalt  }
0x48: {  	_ =	shalt  }
0x49: {  	_ =	shalt  }
0x4a: {  	_ =	shalt  }
0x4b: {  	_ =	shalt  }
0x4c: {  	_ =	shalt  }
0x4d: {  	_ =	shalt  }
0x4e: {  	_ =	shalt  }
0x4f: {  	_ =	shalt  }
0x50: {  	_ =	shalt  }
0x51: {  	_ =	shalt  }
0x52: {  	_ =	shalt  }
0x53: {  	_ =	shalt  }
0x54: {  	_ =	shalt  }
0x55: {  	_ =	shalt  }
0x56: {  	_ =	shalt  }
0x57: {  	_ =	shalt  }
0x58: {  	_ =	shalt  }
0x59: {  	_ =	shalt  }
0x5a: {  	_ =	shalt  }
0x5b: {  	_ =	shalt  }
0x5c: {  	_ =	shalt  }
0x5d: {  	_ =	shalt  }
0x5e: {  	_ =	shalt  }
0x5f: {  	_ =	shalt  }
0x60: {  	_ =	shalt  }
0x61: {  	_ =	shalt  }
0x62: {  	_ =	shalt  }
0x63: {  	_ =	shalt  }
0x64: {  	_ =	shalt  }
0x65: {  	_ =	shalt  }
0x66: {  	_ =	shalt  }
0x67: {  	_ =	shalt  }
0x68: {  	_ =	shalt  }
0x69: {  	_ =	shalt  }
0x6a: {  	_ =	shalt  }
0x6b: {  	_ =	shalt  }
0x6c: {  	_ =	shalt  }
0x6d: {  	_ =	shalt  }
0x6e: {  	_ =	shalt  }
0x6f: {  	_ =	shalt  }
0x70: {  	_ =	shalt  }
0x71: {  	_ =	shalt  }
0x72: {  	_ =	shalt  }
0x73: {  	_ =	shalt  }
0x74: {  	_ =	shalt  }
0x75: {  	_ =	shalt  }
0x76: {  	_ =	shalt  }
0x77: {  	_ =	shalt  }
0x78: {  	_ =	shalt  }
0x79: {  	_ =	shalt  }
0x7a: {  	_ =	shalt  }
0x7b: {  	_ =	shalt  }
0x7c: {  	_ =	shalt  }
0x7d: {  	_ =	shalt  }
0x7e: {  	_ =	shalt  }
0x7f: {  	_ =	shalt  }
0x80: {  	_ =	shalt  }
0x81: {  	_ =	shalt  }
0x82: {  	_ =	shalt  }
0x83: {  	_ =	shalt  }
0x84: {  	_ =	shalt  }
0x85: {  	_ =	shalt  }
0x86: {  	_ =	shalt  }
0x87: {  	_ =	shalt  }
.Lfunc_end0:
.L_simem_size_0:
called_computation_lowered:
.L_overlay_start_0:
0x88: {  	s2 =	sld [smem:$0x3FD9]  }
0x89: {  	s3 =	sld [smem:$0x3FFE];
	_ =	sdelay $0x1  }
0x8a: {  	s1 =	srdreg.scid  }
0x8b: {  	s0 =	sand.u32 $0x1, s1  }
0x8c: {  	s17 =	sshll.u32 s0, $0xA;
	s2 =	sadd.s32 s3, s2  }
0x8d: {  	s2 =	sadd.s32 s2, s17  }
0x8e: {  	[smem:$0x3FC7] =	sst s2  }
0x8f: {  	_ = 	snop  }
0x90: {  	s2 =	sld [smem:$0x3FC9]  }
0x91: {  	s18 =	sld [smem:$0x3FD0];
	(tm) =	ssettm $0x1  }
0x92: {  	s4 =	sld [smem:$0x3FFB];
	_ =	sdelay $0x3  }
0x93: {  	_ =	strace s4  }
0x94: {  	s4 =	sld [smem:$0x3FFC];
	_ =	sdelay $0x3  }
0x95: {  	_ =	strace s4  }
0x96: {  	s4 =	sld [smem:$0x3FFD];
	_ =	sdelay $0x3  }
0x97: {  	_ =	strace s4  }
0x98: {  	_ =	strace $0x8FFFFFFF  }
0x99: {  	s19 =	sld [smem:$0x3FDB];
	_ =	sdelay $0x1  }
0x9a: {  	s5 =	simm.s32 $_scs_section_size  }
0x9b: {  	s6 =	simm.s32 $_size__tile_overlayer_lowered;
	s7 =	simm.s32 $_tile_overlayer_lowered  }
0x9c: {  	s22 =	simm.s32 $0x1BFF;
	s21 =	sshll.u32 s7, $0x1;
	s4 =	sadd.s32 s5, s19  }
0x9d: {  	s8 =	simm.s32 $0x0;
	s20 =	sshll.u32 s6, $0x1;
	s6 =	sadd.s32 s21, s4  }
0x9e: {  	[timem:s8], [sflag:s22] =	dma.local [hbm:s6], s20  }
0x9f: {  	_ =	swait.ge [sflag:s22], s20  }
0xa0: {  	s5 =	ssub.s32 $0x0, s20;
	[sflag:s22] =	ssyncset.done $0x0  }
0xa1: {  	[sflag:s22] =	ssyncadd.s32 s5;
	_ =	sdelay $0x1  }
0xa2: {  	s23 =	simm.s32 $0x1B8B  }
0xa3: {  	_ =	swait.ge [sflag:s23], $0x1  }
0xa4: {  	[sflag:s23] =	ssyncset.done $0x0  }
0xa5: {  	s25 =	simm.s32 $0x1B8E;
	s24 =	sld [smem:$0x3FFE];
	[sflag:s23] =	ssyncadd.s32 $0xFFFFFFFF  }
0xa6: {  	s26 =	simm.s32 $execute0_lowered;
	[smem:$0x3FD2] =	sst s25  }
0xa7: {  	s6 =	sshll.u32 s26, $0x1;
	_ =	strace $0x80000046;
	[dreg:$0x1] =	wrdreg $0xFFFFFFFF  }
0xa8: {  	s28 =	simm.s32 $_size_execute0_lowered;
	s4 =	sadd.s32 s4, s6;
	[dreg:$0x0] =	wrdreg $0x0  }
0xa9: {  	s6 =	sshll.u32 s28, $0x1;
	[dreg:$0x2] =	wrdreg s4  }
0xaa: {  	[dreg:$0x3] =	wrdreg s6  }
0xab: {  	[dreg:$0x4] =	wrdreg $0xC0  }
0xac: {  	_ =	task [dreg:s8], $0x5FFFF  }
0xad: {  	[dreg:$0x1] =	wrdreg $0xFFFFFFFF  }
0xae: {  	[dreg:$0x0] =	wrdreg $0x60  }
0xaf: {  	[dreg:$0x2] =	wrdreg s2  }
0xb0: {  	[dreg:$0x3] =	wrdreg s24  }
0xb1: {  	[dreg:$0x4] =	wrdreg s18  }
0xb2: {  	[dreg:$0x5] =	wrdreg $0x102000  }
0xb3: {  	[dreg:$0x6] =	wrdreg $0x9  }
0xb4: {  	_ =	task.clear_ibuf [dreg:s8], $0x7FFFF;
	_ =	strace $0x90000046  }
0xb5: {  	s29 =	simm.s32 $0x9;
	_ =	strace $0x80000048  }
0xb6: {  	_ =	swait.ge [sflag:s29], $0x1  }
0xb7: {  	[sflag:s29] =	ssyncadd.s32 $0xFFFFFFFF  }
0xb8: {  	_ =	strace $0x90000048  }
0xb9: {  	_ =	sfence  }
0xba: {  	s30 =	sld [smem:$0x0];
	_ =	sdelay $0x2  }
0xbb: {  	s31 =	sshll.u32 s1, $0xD;
	s1 =	sshrl.u32 s1, $0x2  }
0xbc: {  	s3 =	sand.u32 $0x4000, s31;
	s1 =	sadd.s32 s1, s30  }
0xbd: {  	s0 =	sor.u32 s3, s0;
	s1 =	sshll.u32 s1, $0x11  }
0xbe: {  	s0 =	sor.u32 s1, s0  }
0xbf: {  	s0 =	sadd.s32 $0x8F2B, s0  }
0xc0: {  	[sflag:s0] =	ssyncadd.remote.s32 $0x1  }
0xc1: {  	_ =	sfence.sel $0xFFFF  }
0xc2: {  	[dreg:$0x0] =	wrdreg $0xFFFFFFFF;
	(pc) =	sbr.abs _section_cstart, $3  }
0xc3: {  	[dreg:$0x1] =	wrdreg $0xFFFFFFFF  }
0xc4: {  	_ =	task.clear_ibuf [dreg:s8], $0x2FFFF;
	_ =	strace $0x9FFFFFFF  }
0xc5: {  	(tm) =	ssettm $0x7FFFFFFF  }
tec
execute0_lowered:
.L_overlay_start_1:
0x0: {  	(tag) =	ssettag $0x1  }
0x1: {  	v0 =	vimm.s32 $0x4380;
	vm0 =	vcmask $0x300  }
0x2: {  	s4 =	rddreg [dreg:$0x0];
	vm14 =	vcmask $0x704;
	v0 =	vsel vm0, $0x0, v0  }
0x3: {  	s3 =	rddreg [dreg:$0x1];
	vm15 =	vcmask $0xB08;
	v0 =	vsel vm14, $0x80, v0  }
0x4: {  	s6 =	rddreg [dreg:$0x2];
	vm4 =	vcmask $0xF0C;
	v0 =	vsel vm15, $0x100, v0  }
0x5: {  	s1 =	rddreg [dreg:$0x3];
	vm5 =	vcmask $0x1310;
	v0 =	vsel vm4, $0x180, v0  }
0x6: {  	s0 =	rddreg [dreg:$0x4];
	s2 =	simm.s32 $0x0;
	s5 =	srdreg.scid;
	vm6 =	vcmask $0x1714;
	v0 =	vsel vm5, $0x200, v0  }
0x7: {  	s9 =	stileid.u32;
	vm7 =	vcmask $0x1B18;
	s12 =	simm.s32 $0x8200;
	s13 =	simm.s32 $0x1;
	v0 =	vsel vm6, $0x280, v0  }
0x8: {  	vm8 =	vcmask $0x1F1C;
	s14 =	simm.s32 $0x2;
	s15 =	simm.s32 $0x0;
	[smem:$0x7FF] =	sst s2;
	v0 =	vsel vm7, $0x300, v0  }
0x9: {  	vm9 =	vcmask $0x2320;
	s7 =	sand.u32 $0x1, s5;
	s8 =	sshll.u32 s9, $0xA;
	s3 =	sadd.s32 $0x400, s3;
	v0 =	vsel vm8, $0x380, v0  }
0xa: {  	vm10 =	vcmask $0x2724;
	s30 =	sshll.u32 s9, $0x12;
	p0 =	sne.s32 s9, $0x0;
	s9 =	simm.s32 $0x3;
	v0 =	vsel vm9, $0x4000, v0  }
0xb: {  	vm11 =	vcmask $0x2B28;
	s5 =	ssub.s32 $0x2, s7;
	s10 =	sshll.u32 s7, $0x9;
	_ =	strace $0x80000047;
	v0 =	vsel vm10, $0x4080, v0  }
0xc: {  	vm12 =	vcmask $0x2F2C;
	s31 =	sshll.u32 s7, $0x11;
	s11 =	sshrl.u32 s5, $0x1;
	s8 =	sor.u32 s10, s8;
	v0 =	vsel vm11, $0x4100, v0  }
0xd: {  	vm13 =	vcmask $0x3330;
	s10 =	sshrl.u32 @!p0 s1, $0x3;
	s26 =	ssub.s32 s5, s11;
	s28 =	sshrl.u32 s8, $0x3;
	v0 =	vsel vm12, $0x4180, v0  }
0xe: {  	vm14 =	vcmask $0x3734;
	s29 =	sshll.u32 s8, $0x8;
	s8 =	sadd.s32 s30, s6;
	s11 =	simm.s32 $0x200;
	v0 =	vsel vm13, $0x4200, v0  }
0xf: {  	vm15 =	vcmask $0x3B38;
	s4 =	sadd.s32 s4, s28;
	s5 =	sadd.s32 s6, s29;
	s8 =	sadd.s32 s31, s8;
	v0 =	vsel vm14, $0x4280, v0  }
0x10: {  	v1 =	vimm.s32 $0x1;
	v2 =	vimm.s32 $0x0;
	s7 =	smax.u32 s26, $0x1;
	s6 =	sadd.s32 $0x1000, s5;
	s8 =	sadd.s32 $0x2000, s8;
	v0 =	vsel vm15, $0x4300, v0  }
.LBB2_1:
0x11: {  	[tilespmem:s2], [sflag:$0x3] =	stream.linear.gather [hbm4b:s4+s2], $0x200, $0x38;
	[tilespmem:$0x10A00] =	vst v63  }
0x12: {  	_ =	swait.ge [sflag:s9], $0x200  }
0x13: {  	[sflag:s9] =	ssyncset.done $0x0  }
0x14: {  	s16 =	simm.s32 @!p0 $0x1C03;
	[sflag:s9] =	ssyncadd.s32 $0xFFFFFE00  }
0x15: {  	[spmem:s10], [sflag:s16] =	dma.local @!p0 [hbm:s3], $0x1000  }
0x16: {  	s16 =	simm.s32 @!p0 $0x3  }
0x17: {  	_ =	swait.ge @!p0 [sflag:s16], $0x1000  }
0x18: {  	[sflag:s16] =	ssyncset.done @!p0 $0x0  }
0x19: {  	[sflag:s16] =	ssyncadd.s32 @!p0 $0xFFFFF000  }
0x1a: {  	[bflag:$0x0] =	sbarrier.arrive $0xFFFF  }
0x1b: {  	[tilespmem:s11], [sflag:$0x3] =	stream.linear.gather [spmem:s1], $0x8000, $0x38;
	[tilespmem:$0x10A00] =	vst v63  }
0x1c: {  	_ =	swait.ge [sflag:s9], $0x8000  }
0x1d: {  	[sflag:s9] =	ssyncset.done $0x0  }
0x1e: {  	[sflag:s9] =	ssyncadd.s32 $0xFFFF8000  }
0x1f: {  	v3 =	vld [tilespmem:$0x0];
	_ =	sdelay $0x4  }
0x20: {  	vm0 =	vlt.s32 v3, $0x7FF  }
0x21: {  	v3 =	vnsel vm0, $0x7FF, v3  }
0x22: {  	v4 =	vshll.u32 v3, $0x3  }
0x23: {  	v5 =	vand.u32 $0x7F, v3;
	v4 =	vand.u32 $0xFFFFFC00, v4  }
0x24: {  	v4 =	vor.u32 v5, v4  }
0x25: {  	v4 =	vadd.s32 v0, v4;
	_ =	sdelay $0x4  }
0x26: {  	[tilespmem:v4+s11+$0x0] =	vst.idx.msk $0xffff, v1  }
0x27: {  	[hbm4b:s5+s2] =	stream.linear.scatter [tilespmem:s11], [sflag:$0x1], $0x8000, $0x38;
	[tilespmem:$0x10A00] =	vst v63  }
0x28: {  	_ = 	snop  }
0x29: {  	[tilespmem:s12], [sflag:$0x3] =	stream.linear.gather [spmem:s1], $0x8000, $0x38;
	[tilespmem:$0x10A00] =	vst v63  }
0x2a: {  	_ =	swait.ge [sflag:s9], $0x8000  }
0x2b: {  	[sflag:s9] =	ssyncset.done $0x0  }
0x2c: {  	[sflag:s9] =	ssyncadd.s32 $0xFFFF8000  }
0x2d: {  	v4 =	vld [tilespmem:$0x10];
	_ =	sdelay $0x4  }
0x2e: {  	vm15 =	vlt.s32 v4, $0x7FF  }
0x2f: {  	v4 =	vnsel vm15, $0x7FF, v4  }
0x30: {  	v5 =	vshll.u32 v4, $0x3  }
0x31: {  	v6 =	vand.u32 $0x7F, v4;
	v5 =	vand.u32 $0xFFFFFC00, v5  }
0x32: {  	v5 =	vor.u32 v6, v5  }
0x33: {  	v5 =	vadd.s32 v0, v5;
	_ =	sdelay $0x4  }
0x34: {  	s17 =	simm.s32 $0x0;
	s16 =	smov.u32 s8;
	[tilespmem:v5+s12+$0x0] =	vst.idx.msk $0xffff, v1  }
0x35: {  	[hbm4b:s6+s2] =	stream.linear.scatter [tilespmem:s12], [sflag:$0x2], $0x8000, $0x38;
	[tilespmem:$0x10A00] =	vst v63  }
.LBB2_2:
0x36: {  	v5 =	vshll.u32 v3, $0x3  }
0x37: {  	v3 =	vand.u32 $0x7F, v3;
	v5 =	vand.u32 $0xFFFFFC00, v5  }
0x38: {  	v3 =	vor.u32 v3, v5  }
0x39: {  	v3 =	vadd.s32 v0, v3;
	_ =	sdelay $0x1  }
0x3a: {  	_ =	swait.ge [sflag:s13], $0x8000  }
0x3b: {  	[sflag:s13] =	ssyncset.done $0x0  }
0x3c: {  	[sflag:s13] =	ssyncadd.s32 $0xFFFF8000  }
0x3d: {  	s18 =	sshra.s32 s17, $0x2;
	[tilespmem:v3+s11+$0x0] =	vst.idx.msk $0xffff, v2  }
0x3e: {  	v3 =	vld [tilespmem:s18+$0x20];
	_ =	sdelay $0x4  }
0x3f: {  	vm0 =	vlt.s32 v3, $0x7FF  }
0x40: {  	v3 =	vnsel vm0, $0x7FF, v3  }
0x41: {  	v5 =	vshll.u32 v3, $0x3  }
0x42: {  	v6 =	vand.u32 $0x7F, v3;
	v5 =	vand.u32 $0xFFFFFC00, v5  }
0x43: {  	v5 =	vor.u32 v6, v5  }
0x44: {  	v5 =	vadd.s32 v0, v5;
	_ =	sdelay $0x1  }
0x45: {  	v6 =	vshll.u32 v4, $0x3  }
0x46: {  	v4 =	vand.u32 $0x7F, v4;
	v6 =	vand.u32 $0xFFFFFC00, v6  }
0x47: {  	v4 =	vor.u32 v4, v6  }
0x48: {  	v4 =	vadd.s32 v0, v4;
	[tilespmem:v5+s11+$0x0] =	vst.idx.msk $0xffff, v1  }
0x49: {  	[hbm4b:s16+s2] =	stream.linear.scatter [tilespmem:s11], [sflag:$0x1], $0x8000, $0x38;
	[tilespmem:$0x10A00] =	vst v63  }
0x4a: {  	_ =	swait.ge [sflag:s14], $0x8000  }
0x4b: {  	[sflag:s14] =	ssyncset.done $0x0  }
0x4c: {  	[sflag:s14] =	ssyncadd.s32 $0xFFFF8000  }
0x4d: {  	[tilespmem:v4+s12+$0x0] =	vst.idx.msk $0xffff, v2  }
0x4e: {  	v4 =	vld [tilespmem:s18+$0x30];
	_ =	sdelay $0x4  }
0x4f: {  	vm15 =	vlt.s32 v4, $0x7FF  }
0x50: {  	v4 =	vnsel vm15, $0x7FF, v4  }
0x51: {  	v5 =	vshll.u32 v4, $0x3  }
0x52: {  	v6 =	vand.u32 $0x7F, v4;
	v5 =	vand.u32 $0xFFFFFC00, v5  }
0x53: {  	v5 =	vor.u32 v6, v5  }
0x54: {  	v5 =	vadd.s32 v0, v5  }
0x55: {  	p1 =	sne.s32 s17, $0x700  }
.Ltmp0:
0x56: {  	_ = 	snop;
	(pc) =	sbr.rel @p1 .LBB2_2-.Ltmp0, $3  }
0x57: {  	_ =	sdelay $0x1  }
0x58: {  	s31 =	sadd.s32 $0x1000, s16;
	s17 =	sadd.s32 $0x80, s17;
	s16 =	sadd.s32 $0x2000, s16;
	[tilespmem:v5+s12+$0x0] =	vst.idx.msk $0xffff, v1  }
0x59: {  	[hbm4b:s31+s2] =	stream.linear.scatter [tilespmem:s12], [sflag:$0x2], $0x8000, $0x38;
	[tilespmem:$0x10A00] =	vst v63  }
0x5a: {  	s15 =	sadd.s32 $0x1, s15  }
0x5b: {  	_ =	swait.ge [sflag:s13], $0x8000;
	p1 =	sne.s32 s15, s7  }
.Ltmp1:
0x5c: {  	[sflag:s13] =	ssyncset.done $0x0;
	(pc) =	sbr.rel @p1 .LBB2_1-.Ltmp1, $4  }
0x5d: {  	[sflag:s13] =	ssyncadd.s32 $0xFFFF8000  }
0x5e: {  	_ =	swait.ge [sflag:s14], $0x8000  }
0x5f: {  	[sflag:s14] =	ssyncset.done $0x0  }
0x60: {  	[sflag:s14] =	ssyncadd.s32 $0xFFFF8000  }
0x61: {  	_ =	sfence.sel $0x180000  }
0x62: {  	[bflag:$0x0] =	sbarrier.arrive $0xFFFF  }
0x63: {  	_ =	strace $0x90000047  }
0x64: {  	s0 =	sadd.s32 @!p0 $0x100000, s0;
	[bflag:$0x2] =	sbarrier.arrive $0xFFFF  }
0x65: {  	[sflag:s0] =	ssyncadd.tile.s32 @!p0 $0x1;
	_ =	shalt  }
.Lfunc_end2:
_tile_overlayer_lowered:
.L_overlay_start_2:
0x66: {  	(tag) =	ssettag $0x2  }
0x67: {  	s0 =	rddreg [dreg:$0x0];
	s2 =	stileid.u32  }
0x68: {  	s1 =	rddreg [dreg:$0x1];
	p0 =	sne.s32 s2, $0x0  }
0x69: {  	s3 =	rddreg [dreg:$0x2];
	[bflag:$0x3] =	sbarrier.arrive $0xFFFF;
	s2 =	simm.s32 @!p0 $0x1C03  }
0x6a: {  	[timem:s3], [sflag:s2] =	dma.local @!p0 [hbm:s0], s1  }
0x6b: {  	s0 =	simm.s32 @!p0 $0x3  }
0x6c: {  	_ =	swait.ge @!p0 [sflag:s0], s1  }
0x6d: {  	s1 =	ssub.s32 @!p0 $0x0, s1;
	[sflag:s0] =	ssyncset.done @!p0 $0x0  }
0x6e: {  	[sflag:s0] =	ssyncadd.s32 @!p0 s1  }
0x6f: {  	[bflag:$0x3] =	sbarrier.arrive $0xFFFF  }
0x70: {  	_ =	shalt  }

</sc_bundles>
